<compile_context>
chip_gen: v7x
topology: tpu7x:2x2x1
jax: 0.10.2.dev20260603
libtpu: 0.0.44.dev20260713+nightly
codegen_flags: <defaults>
</compile_context>

<pallas_src>
import functools

import jax
import jax.numpy as jnp
from jax import lax
from jax.experimental import pallas as pl
from jax.experimental.pallas import tpu as pltpu
from jax.experimental.pallas import tpu_sc as plsc

_LANES = 16
_NC = 2
_NS = 16
_NW = _NC * _NS

_CHUNK = 16384
_SC_ROWS = 512
_TC_BLOCK = 512


def _tc_ew_kernel(x_ref, o_ref):
    x = x_ref[...]
    o_ref[...] = jnp.where(x > -1.0, jnp.float32(3.0), x + 1.0)


def _sc_tail(x_flat, tail_start):
    n_tail = x_flat.shape[0] - tail_start
    per_w = n_tail // _NW
    n_chunks = per_w // _CHUNK
    mesh = plsc.VectorSubcoreMesh(core_axis_name="c", subcore_axis_name="s")

    @functools.partial(
        pl.kernel,
        mesh=mesh,
        out_type=jax.ShapeDtypeStruct((n_tail,), jnp.float32),
        scratch_types=[
            pltpu.VMEM((_CHUNK,), jnp.float32),
            pltpu.VMEM((_CHUNK,), jnp.float32),
            pltpu.VMEM((_CHUNK,), jnp.float32),
            pltpu.VMEM((_CHUNK,), jnp.float32),
            pltpu.SemaphoreType.DMA,
            pltpu.SemaphoreType.DMA,
            pltpu.SemaphoreType.DMA,
            pltpu.SemaphoreType.DMA,
        ],
    )
    def sc_k(x_hbm, o_hbm, in0, in1, out0, out1, si0, si1, so0, so1):
        wid = lax.axis_index("s") * _NC + lax.axis_index("c")
        obase = wid * per_w
        ibase = tail_start + obase
        ins, outs = (in0, in1), (out0, out1)
        sis, sos = (si0, si1), (so0, so1)

        pltpu.async_copy(x_hbm.at[pl.ds(ibase, _CHUNK)], in0, si0)
        pltpu.async_copy(x_hbm.at[pl.ds(ibase + _CHUNK, _CHUNK)], in1, si1)

        @pl.loop(0, n_chunks, step=2)
        def _chunk_pair(c):
            for b in range(2):
                cc = c + b
                pltpu.make_async_copy(
                    x_hbm.at[pl.ds(ibase, _CHUNK)], ins[b], sis[b]).wait()

                @pl.when(cc >= 2)
                def _():
                    pltpu.make_async_copy(
                        outs[b], o_hbm.at[pl.ds(obase, _CHUNK)],
                        sos[b]).wait()

                @plsc.parallel_loop(0, _CHUNK, step=_LANES, unroll=8)
                def _vec(i):
                    v = ins[b][pl.ds(i, _LANES)]
                    outs[b][pl.ds(i, _LANES)] = jnp.where(
                        v > -1.0, jnp.float32(3.0), v + 1.0)

                pltpu.async_copy(
                    outs[b], o_hbm.at[pl.ds(obase + cc * _CHUNK, _CHUNK)],
                    sos[b])

                @pl.when(cc + 2 < n_chunks)
                def _():
                    pltpu.async_copy(
                        x_hbm.at[pl.ds(ibase + (cc + 2) * _CHUNK, _CHUNK)],
                        ins[b], sis[b])

        for b in range(2):
            pltpu.make_async_copy(
                outs[b], o_hbm.at[pl.ds(obase, _CHUNK)], sos[b]).wait()

    return sc_k(x_flat)


def kernel(x):
    b, m, n = x.shape
    rows = b * m
    tc_rows = rows - _SC_ROWS
    x2 = x.reshape(rows, n)

    tc_full = pl.pallas_call(
        _tc_ew_kernel,
        grid=(tc_rows // _TC_BLOCK,),
        in_specs=[pl.BlockSpec((_TC_BLOCK, n), lambda i: (i, 0))],
        out_specs=pl.BlockSpec((_TC_BLOCK, n), lambda i: (i, 0)),
        out_shape=jax.ShapeDtypeStruct((rows, n), x.dtype),
    )(x2)

    sc_part = _sc_tail(x2.reshape(rows * n), tc_rows * n)

    out = lax.dynamic_update_slice(
        tc_full, sc_part.reshape(_SC_ROWS, n), (tc_rows, 0))
    return out.reshape(b, m, n)

# --- scband reference (transcript-rebuilt; emitter-appended) ---
"""Pipeline reference for scband-my-module-43722767073649 (READ-ONLY COPY).

The authoritative reference and input builder live on the scoring server;
editing this copy changes nothing except your own understanding.
"""

import jax, jax.numpy as jnp
import numpy as np

def setup_inputs(seed: int = 0) -> dict:
    key = jax.random.key(seed)
    x = jax.random.normal(key, (2, 4096, 4096), dtype=jnp.float32)
    return {"x": x}

def reference(x):
    # Faithful translation of the sequential in-place masked updates:
    # 1) x[x <= 0] += 1
    x = jnp.where(x <= 0, x + 1.0, x)
    # 2) x[x > 0] = 2  (mask recomputed on the updated tensor)
    x = jnp.where(x > 0, jnp.float32(2.0), x)
    # 3) x[x > 1] = 3
    x = jnp.where(x > 1, jnp.float32(3.0), x)
    return x

if __name__ == "__main__":
    import jax
    _d = setup_inputs()
    print(jax.jit(kernel)(*tuple(_d.values())))

</pallas_src>

<mosaic_0001>
#map = affine_map<(d0, d1) -> (0)>
module attributes {stable_mosaic.version = 14 : i64} {
  func.func @sc_k(%arg0: i32, %arg1: i32, %arg2: memref<33554432xf32, #tpu.memory_space<hbm>>, %arg3: memref<2097152xf32, #tpu.memory_space<hbm>>, %arg4: memref<16384xf32, #tpu.memory_space<vmem>>, %arg5: memref<16384xf32, #tpu.memory_space<vmem>>, %arg6: memref<16384xf32, #tpu.memory_space<vmem>>, %arg7: memref<16384xf32, #tpu.memory_space<vmem>>, %arg8: memref<!tpu.dma_semaphore, #tpu.memory_space<semaphore_mem>>, %arg9: memref<!tpu.dma_semaphore, #tpu.memory_space<semaphore_mem>>, %arg10: memref<!tpu.dma_semaphore, #tpu.memory_space<semaphore_mem>>, %arg11: memref<!tpu.dma_semaphore, #tpu.memory_space<semaphore_mem>>) attributes {dimension_semantics = [#tpu.dimension_semantics<core_parallel>, #tpu.dimension_semantics<subcore_parallel>], iteration_bounds = array<i64: 2, 16>, scalar_prefetch = 0 : i64, scratch_operands = 8 : i64, tpu.core_type = #tpu.core_type<sc_vector_subcore>, window_params = [{transform_indices = #map}, {transform_indices = #map}]} {
    %mul3A = arith.constant 2 : i32
    %mul3A_0 = arith.muli %arg1, %mul3A : i32
    %add3A = arith.addi %mul3A_0, %arg0 : i32
    %mul3A_1 = arith.constant 65536 : i32
    %mul3A_2 = arith.muli %add3A, %mul3A_1 : i32
    %add3A_3 = arith.constant 31457280 : i32
    %add3A_4 = arith.addi %add3A_3, %mul3A_2 : i32
    %dma_start3A = tpu.memref_slice %arg2[%add3A_4] : memref<33554432xf32, #tpu.memory_space<hbm>> -> memref<16384xf32, #tpu.memory_space<hbm>>
    %dma_start3A_5 = tpu.memref_slice %arg2[%add3A_4] : memref<33554432xf32, #tpu.memory_space<hbm>> -> memref<16384xf32, #tpu.memory_space<hbm>>
    tpu.enqueue_dma source(%dma_start3A_5 : memref<16384xf32, #tpu.memory_space<hbm>>) target(%arg4 : memref<16384xf32, #tpu.memory_space<vmem>>) target_semaphore(%arg8 : memref<!tpu.dma_semaphore, #tpu.memory_space<semaphore_mem>>)
    %add3A_6 = arith.constant 16384 : i32
    %add3A_7 = arith.addi %add3A_4, %add3A_6 : i32
    %dma_start3A_8 = tpu.memref_slice %arg2[%add3A_7] : memref<33554432xf32, #tpu.memory_space<hbm>> -> memref<16384xf32, #tpu.memory_space<hbm>>
    %dma_start3A_9 = tpu.memref_slice %arg2[%add3A_7] : memref<33554432xf32, #tpu.memory_space<hbm>> -> memref<16384xf32, #tpu.memory_space<hbm>>
    tpu.enqueue_dma source(%dma_start3A_9 : memref<16384xf32, #tpu.memory_space<hbm>>) target(%arg5 : memref<16384xf32, #tpu.memory_space<vmem>>) target_semaphore(%arg9 : memref<!tpu.dma_semaphore, #tpu.memory_space<semaphore_mem>>)
    %scan3A = arith.constant 0 : i32
    %scan3A_10 = arith.constant 2 : i32
    %scan3A_11 = arith.addi %scan3A, %scan3A_10 : i32
    %scan3A_12 = arith.constant 1 : i32
    scf.for %scan3A_17 = %scan3A to %scan3A_11 step %scan3A_12  : i32 {
      %mul3A_18 = arith.constant 2 : i32
      %mul3A_19 = arith.muli %scan3A_17, %mul3A_18 : i32
      %add3A_20 = arith.constant 0 : i32
      %add3A_21 = arith.addi %add3A_20, %mul3A_19 : i32
      %add3A_22 = arith.constant 0 : i32
      %add3A_23 = arith.addi %add3A_21, %add3A_22 : i32
      %dma_wait3A_24 = tpu.memref_slice %arg2[%add3A_4] : memref<33554432xf32, #tpu.memory_space<hbm>> -> memref<16384xf32, #tpu.memory_space<hbm>>
      %dma_wait3A_25 = tpu.memref_slice %arg2[%add3A_4] : memref<33554432xf32, #tpu.memory_space<hbm>> -> memref<16384xf32, #tpu.memory_space<hbm>>
      tpu.wait_dma2 semaphore(%arg8 : memref<!tpu.dma_semaphore, #tpu.memory_space<semaphore_mem>>) src(%dma_wait3A_25 : memref<16384xf32, #tpu.memory_space<hbm>>) dst(%arg4 : memref<16384xf32, #tpu.memory_space<vmem>>)
      %ge3A = arith.constant 2 : i32
      %ge3A_26 = arith.cmpi sge, %add3A_23, %ge3A : i32
      %convert_element_type3A = arith.extui %ge3A_26 : i1 to i32
      %cond3A = arith.constant 0 : i32
      %cond3A_27 = arith.cmpi ne, %convert_element_type3A, %cond3A : i32
      scf.if %cond3A_27 {
        %dma_wait3A_65 = tpu.memref_slice %arg3[%mul3A_2] : memref<2097152xf32, #tpu.memory_space<hbm>> -> memref<16384xf32, #tpu.memory_space<hbm>>
        %dma_wait3A_66 = tpu.memref_slice %arg3[%mul3A_2] : memref<2097152xf32, #tpu.memory_space<hbm>> -> memref<16384xf32, #tpu.memory_space<hbm>>
        tpu.wait_dma2 semaphore(%arg10 : memref<!tpu.dma_semaphore, #tpu.memory_space<semaphore_mem>>) src(%arg6 : memref<16384xf32, #tpu.memory_space<vmem>>) dst(%dma_wait3A_66 : memref<16384xf32, #tpu.memory_space<hbm>>)
      } else {
      }
      %parallel_loop3A = arith.constant 0 : i32
      %parallel_loop3A_28 = arith.constant 16384 : i32
      %parallel_loop3A_29 = arith.constant 16 : i32
      scf.for %parallel_loop3A_65 = %parallel_loop3A to %parallel_loop3A_28 step %parallel_loop3A_29  : i32 {
        %parallel_loop3A_66 = arith.index_cast %parallel_loop3A_65 : i32 to index
        %parallel_loop3A_67 = tpu.vector_load %arg4[%parallel_loop3A_66] {strides = array<i32>} : memref<16384xf32, #tpu.memory_space<vmem>>, vector<16xf32>,
        %parallel_loop3A_68 = vector.shape_cast %parallel_loop3A_67 : vector<16xf32> to vector<16xf32>
        %parallel_loop3A_69 = arith.constant -1.000000e+00 : f32
        %parallel_loop3A_70 = vector.broadcast %parallel_loop3A_69 : f32 to vector<16xf32>
        %parallel_loop3A_71 = arith.cmpf ogt, %parallel_loop3A_68, %parallel_loop3A_70 : vector<16xf32>
        %parallel_loop3A_72 = arith.constant 1.000000e+00 : f32
        %parallel_loop3A_73 = vector.broadcast %parallel_loop3A_72 : f32 to vector<16xf32>
        %parallel_loop3A_74 = arith.addf %parallel_loop3A_68, %parallel_loop3A_73 : vector<16xf32>
        %parallel_loop3A_75 = arith.constant 3.000000e+00 : f32
        %parallel_loop3A_76 = vector.broadcast %parallel_loop3A_75 : f32 to vector<16xf32>
        %parallel_loop3A_77 = arith.select %parallel_loop3A_71, %parallel_loop3A_76, %parallel_loop3A_74 : vector<16xi1>, vector<16xf32>
        %parallel_loop3A_78 = arith.index_cast %parallel_loop3A_65 : i32 to index
        %parallel_loop3A_79 = tpu.vector_load %arg6[%parallel_loop3A_78] {strides = array<i32>} : memref<16384xf32, #tpu.memory_space<vmem>>, vector<16xf32>,
        %parallel_loop3A_80 = vector.shape_cast %parallel_loop3A_79 : vector<16xf32> to vector<16xf32>
        %parallel_loop3A_81 = vector.shape_cast %parallel_loop3A_77 : vector<16xf32> to vector<16xf32>
        tpu.vector_store %arg6[%parallel_loop3A_78], %parallel_loop3A_81 {strides = array<i32>} : memref<16384xf32, #tpu.memory_space<vmem>>, vector<16xf32>,
      } {sc.loop_unroll_factor = 8 : i64, sc.parallel_access}
      %mul3A_30 = arith.constant 16384 : i32
      %mul3A_31 = arith.muli %add3A_23, %mul3A_30 : i32
      %add3A_32 = arith.addi %mul3A_2, %mul3A_31 : i32
      %dma_start3A_33 = tpu.memref_slice %arg3[%add3A_32] : memref<2097152xf32, #tpu.memory_space<hbm>> -> memref<16384xf32, #tpu.memory_space<hbm>>
      %dma_start3A_34 = tpu.memref_slice %arg3[%add3A_32] : memref<2097152xf32, #tpu.memory_space<hbm>> -> memref<16384xf32, #tpu.memory_space<hbm>>
      tpu.enqueue_dma source(%arg6 : memref<16384xf32, #tpu.memory_space<vmem>>) target(%dma_start3A_34 : memref<16384xf32, #tpu.memory_space<hbm>>) target_semaphore(%arg10 : memref<!tpu.dma_semaphore, #tpu.memory_space<semaphore_mem>>)
      %add3A_35 = arith.constant 2 : i32
      %add3A_36 = arith.addi %add3A_23, %add3A_35 : i32
      %lt3A = arith.constant 4 : i32
      %lt3A_37 = arith.cmpi slt, %add3A_36, %lt3A : i32
      %convert_element_type3A_38 = arith.extui %lt3A_37 : i1 to i32
      %cond3A_39 = arith.constant 0 : i32
      %cond3A_40 = arith.cmpi ne, %convert_element_type3A_38, %cond3A_39 : i32
      scf.if %cond3A_40 {
        %add3A_65 = arith.constant 2 : i32
        %add3A_66 = arith.addi %add3A_23, %add3A_65 : i32
        %mul3A_67 = arith.constant 16384 : i32
        %mul3A_68 = arith.muli %add3A_66, %mul3A_67 : i32
        %add3A_69 = arith.addi %add3A_4, %mul3A_68 : i32
        %dma_start3A_70 = tpu.memref_slice %arg2[%add3A_69] : memref<33554432xf32, #tpu.memory_space<hbm>> -> memref<16384xf32, #tpu.memory_space<hbm>>
        %dma_start3A_71 = tpu.memref_slice %arg2[%add3A_69] : memref<33554432xf32, #tpu.memory_space<hbm>> -> memref<16384xf32, #tpu.memory_space<hbm>>
        tpu.enqueue_dma source(%dma_start3A_71 : memref<16384xf32, #tpu.memory_space<hbm>>) target(%arg4 : memref<16384xf32, #tpu.memory_space<vmem>>) target_semaphore(%arg8 : memref<!tpu.dma_semaphore, #tpu.memory_space<semaphore_mem>>)
      } else {
      }
      %add3A_41 = arith.constant 1 : i32
      %add3A_42 = arith.addi %add3A_21, %add3A_41 : i32
      %dma_wait3A_43 = tpu.memref_slice %arg2[%add3A_4] : memref<33554432xf32, #tpu.memory_space<hbm>> -> memref<16384xf32, #tpu.memory_space<hbm>>
      %dma_wait3A_44 = tpu.memref_slice %arg2[%add3A_4] : memref<33554432xf32, #tpu.memory_space<hbm>> -> memref<16384xf32, #tpu.memory_space<hbm>>
      tpu.wait_dma2 semaphore(%arg9 : memref<!tpu.dma_semaphore, #tpu.memory_space<semaphore_mem>>) src(%dma_wait3A_44 : memref<16384xf32, #tpu.memory_space<hbm>>) dst(%arg5 : memref<16384xf32, #tpu.memory_space<vmem>>)
      %ge3A_45 = arith.constant 2 : i32
      %ge3A_46 = arith.cmpi sge, %add3A_42, %ge3A_45 : i32
      %convert_element_type3A_47 = arith.extui %ge3A_46 : i1 to i32
      %cond3A_48 = arith.constant 0 : i32
      %cond3A_49 = arith.cmpi ne, %convert_element_type3A_47, %cond3A_48 : i32
      scf.if %cond3A_49 {
        %dma_wait3A_65 = tpu.memref_slice %arg3[%mul3A_2] : memref<2097152xf32, #tpu.memory_space<hbm>> -> memref<16384xf32, #tpu.memory_space<hbm>>
        %dma_wait3A_66 = tpu.memref_slice %arg3[%mul3A_2] : memref<2097152xf32, #tpu.memory_space<hbm>> -> memref<16384xf32, #tpu.memory_space<hbm>>
        tpu.wait_dma2 semaphore(%arg11 : memref<!tpu.dma_semaphore, #tpu.memory_space<semaphore_mem>>) src(%arg7 : memref<16384xf32, #tpu.memory_space<vmem>>) dst(%dma_wait3A_66 : memref<16384xf32, #tpu.memory_space<hbm>>)
      } else {
      }
      %parallel_loop3A_50 = arith.constant 0 : i32
      %parallel_loop3A_51 = arith.constant 16384 : i32
      %parallel_loop3A_52 = arith.constant 16 : i32
      scf.for %parallel_loop3A_65 = %parallel_loop3A_50 to %parallel_loop3A_51 step %parallel_loop3A_52  : i32 {
        %parallel_loop3A_66 = arith.index_cast %parallel_loop3A_65 : i32 to index
        %parallel_loop3A_67 = tpu.vector_load %arg5[%parallel_loop3A_66] {strides = array<i32>} : memref<16384xf32, #tpu.memory_space<vmem>>, vector<16xf32>,
        %parallel_loop3A_68 = vector.shape_cast %parallel_loop3A_67 : vector<16xf32> to vector<16xf32>
        %parallel_loop3A_69 = arith.constant -1.000000e+00 : f32
        %parallel_loop3A_70 = vector.broadcast %parallel_loop3A_69 : f32 to vector<16xf32>
        %parallel_loop3A_71 = arith.cmpf ogt, %parallel_loop3A_68, %parallel_loop3A_70 : vector<16xf32>
        %parallel_loop3A_72 = arith.constant 1.000000e+00 : f32
        %parallel_loop3A_73 = vector.broadcast %parallel_loop3A_72 : f32 to vector<16xf32>
        %parallel_loop3A_74 = arith.addf %parallel_loop3A_68, %parallel_loop3A_73 : vector<16xf32>
        %parallel_loop3A_75 = arith.constant 3.000000e+00 : f32
        %parallel_loop3A_76 = vector.broadcast %parallel_loop3A_75 : f32 to vector<16xf32>
        %parallel_loop3A_77 = arith.select %parallel_loop3A_71, %parallel_loop3A_76, %parallel_loop3A_74 : vector<16xi1>, vector<16xf32>
        %parallel_loop3A_78 = arith.index_cast %parallel_loop3A_65 : i32 to index
        %parallel_loop3A_79 = tpu.vector_load %arg7[%parallel_loop3A_78] {strides = array<i32>} : memref<16384xf32, #tpu.memory_space<vmem>>, vector<16xf32>,
        %parallel_loop3A_80 = vector.shape_cast %parallel_loop3A_79 : vector<16xf32> to vector<16xf32>
        %parallel_loop3A_81 = vector.shape_cast %parallel_loop3A_77 : vector<16xf32> to vector<16xf32>
        tpu.vector_store %arg7[%parallel_loop3A_78], %parallel_loop3A_81 {strides = array<i32>} : memref<16384xf32, #tpu.memory_space<vmem>>, vector<16xf32>,
      } {sc.loop_unroll_factor = 8 : i64, sc.parallel_access}
      %mul3A_53 = arith.constant 16384 : i32
      %mul3A_54 = arith.muli %add3A_42, %mul3A_53 : i32
      %add3A_55 = arith.addi %mul3A_2, %mul3A_54 : i32
      %dma_start3A_56 = tpu.memref_slice %arg3[%add3A_55] : memref<2097152xf32, #tpu.memory_space<hbm>> -> memref<16384xf32, #tpu.memory_space<hbm>>
      %dma_start3A_57 = tpu.memref_slice %arg3[%add3A_55] : memref<2097152xf32, #tpu.memory_space<hbm>> -> memref<16384xf32, #tpu.memory_space<hbm>>
      tpu.enqueue_dma source(%arg7 : memref<16384xf32, #tpu.memory_space<vmem>>) target(%dma_start3A_57 : memref<16384xf32, #tpu.memory_space<hbm>>) target_semaphore(%arg11 : memref<!tpu.dma_semaphore, #tpu.memory_space<semaphore_mem>>)
      %add3A_58 = arith.constant 2 : i32
      %add3A_59 = arith.addi %add3A_42, %add3A_58 : i32
      %lt3A_60 = arith.constant 4 : i32
      %lt3A_61 = arith.cmpi slt, %add3A_59, %lt3A_60 : i32
      %convert_element_type3A_62 = arith.extui %lt3A_61 : i1 to i32
      %cond3A_63 = arith.constant 0 : i32
      %cond3A_64 = arith.cmpi ne, %convert_element_type3A_62, %cond3A_63 : i32
      scf.if %cond3A_64 {
        %add3A_65 = arith.constant 2 : i32
        %add3A_66 = arith.addi %add3A_42, %add3A_65 : i32
        %mul3A_67 = arith.constant 16384 : i32
        %mul3A_68 = arith.muli %add3A_66, %mul3A_67 : i32
        %add3A_69 = arith.addi %add3A_4, %mul3A_68 : i32
        %dma_start3A_70 = tpu.memref_slice %arg2[%add3A_69] : memref<33554432xf32, #tpu.memory_space<hbm>> -> memref<16384xf32, #tpu.memory_space<hbm>>
        %dma_start3A_71 = tpu.memref_slice %arg2[%add3A_69] : memref<33554432xf32, #tpu.memory_space<hbm>> -> memref<16384xf32, #tpu.memory_space<hbm>>
        tpu.enqueue_dma source(%dma_start3A_71 : memref<16384xf32, #tpu.memory_space<hbm>>) target(%arg5 : memref<16384xf32, #tpu.memory_space<vmem>>) target_semaphore(%arg9 : memref<!tpu.dma_semaphore, #tpu.memory_space<semaphore_mem>>)
      } else {
      }
    }
    %scan3A_13 = arith.constant 2 : i32
    %dma_wait3A = tpu.memref_slice %arg3[%mul3A_2] : memref<2097152xf32, #tpu.memory_space<hbm>> -> memref<16384xf32, #tpu.memory_space<hbm>>
    %dma_wait3A_14 = tpu.memref_slice %arg3[%mul3A_2] : memref<2097152xf32, #tpu.memory_space<hbm>> -> memref<16384xf32, #tpu.memory_space<hbm>>
    tpu.wait_dma2 semaphore(%arg10 : memref<!tpu.dma_semaphore, #tpu.memory_space<semaphore_mem>>) src(%arg6 : memref<16384xf32, #tpu.memory_space<vmem>>) dst(%dma_wait3A_14 : memref<16384xf32, #tpu.memory_space<hbm>>)
    %dma_wait3A_15 = tpu.memref_slice %arg3[%mul3A_2] : memref<2097152xf32, #tpu.memory_space<hbm>> -> memref<16384xf32, #tpu.memory_space<hbm>>
    %dma_wait3A_16 = tpu.memref_slice %arg3[%mul3A_2] : memref<2097152xf32, #tpu.memory_space<hbm>> -> memref<16384xf32, #tpu.memory_space<hbm>>
    tpu.wait_dma2 semaphore(%arg11 : memref<!tpu.dma_semaphore, #tpu.memory_space<semaphore_mem>>) src(%arg7 : memref<16384xf32, #tpu.memory_space<vmem>>) dst(%dma_wait3A_16 : memref<16384xf32, #tpu.memory_space<hbm>>)
    return
  }
}

module attributes {stable_mosaic.version = 14 : i64} {
  func.func @_tc_ew_kernel(%arg0: i32, %arg1: memref<512x4096xf32, #tpu.memory_space<vmem>>, %arg2: memref<512x4096xf32, #tpu.memory_space<vmem>>) attributes {dimension_semantics = [#tpu.dimension_semantics<arbitrary>], iteration_bounds = array<i64: 15>, scalar_prefetch = 0 : i64, scratch_operands = 0 : i64, tpu.core_type = #tpu.core_type<tc>, window_params = [{transform_indices = @transform_0, window_bounds = array<i64: 512, 4096>}, {transform_indices = @transform_1, window_bounds = array<i64: 512, 4096>}]} {
    %get3A = arith.constant 0 : index
    %get3A_0 = arith.constant 0 : index
    %get3A_1 = vector.load %arg1[%get3A, %get3A_0] : memref<512x4096xf32, #tpu.memory_space<vmem>>, vector<512x4096xf32>
    %gt3A = arith.constant -1.000000e+00 : f32
    %gt3A_2 = vector.broadcast %gt3A : f32 to vector<512x4096xf32>
    %gt3A_3 = arith.cmpf ogt, %get3A_1, %gt3A_2 : vector<512x4096xf32>
    %add3A = arith.constant 1.000000e+00 : f32
    %add3A_4 = vector.broadcast %add3A : f32 to vector<512x4096xf32>
    %add3A_5 = arith.addf %get3A_1, %add3A_4 : vector<512x4096xf32>
    %jit3A = arith.constant 3.000000e+00 : f32
    %broadcast_in_dim3A = vector.broadcast %jit3A : f32 to vector<512x4096xf32>
    %select_n3A = arith.select %gt3A_3, %broadcast_in_dim3A, %add3A_5 : vector<512x4096xi1>, vector<512x4096xf32>
    %swap3A = arith.constant 0 : index
    %swap3A_6 = arith.constant 0 : index
    %swap3A_7 = vector.load %arg2[%swap3A, %swap3A_6] : memref<512x4096xf32, #tpu.memory_space<vmem>>, vector<512x4096xf32>
    tpu.vector_store %arg2[%swap3A, %swap3A_6], %select_n3A {strides = array<i32>} : memref<512x4096xf32, #tpu.memory_space<vmem>>, vector<512x4096xf32>,
    return
  }
  func.func @transform_0(%arg0: i32) -> (i32, i32) {
    %c0_i32 = arith.constant 0 : i32
    %c0_i32_0 = arith.constant 0 : i32
    return %arg0, %c0_i32 : i32, i32
  }
  func.func @transform_1(%arg0: i32) -> (i32, i32) {
    %c0_i32 = arith.constant 0 : i32
    %c0_i32_0 = arith.constant 0 : i32
    return %arg0, %c0_i32 : i32, i32
  }
}

</mosaic_0001>

<sc_bundles>
// kernel: kernel.4.cloned.1.call-start
scs
__scs_entry_jumppad:
0x0: {  	(pc) =	sbr.rel $0x88, $3  }
0x1: {  	(tag) =	ssettag $0x0;
	lr =	simm.s32 $0x1  }
0x2: {  	[smem:$0x3FA0] =	sst lr;
	_ =	strace $0xD0000000  }
0x3: {  	_ = 	snop  }
0x4: {  	_ = 	snop  }
0x5: {  	_ = 	snop  }
0x6: {  	_ = 	snop  }
0x7: {  	_ = 	snop  }
__scs_overlays_trampoline_lowered:
0x8: {  	[smem:$0x3FAF] =	sst s0  }
0x9: {  	[smem:$0x3FB0] =	sst s1  }
0xa: {  	[smem:$0x3FB1] =	sst s2  }
0xb: {  	[smem:$0x3FB2] =	sst s3  }
0xc: {  	[smem:$0x3FB3] =	sst s4  }
0xd: {  	[smem:$0x3FB4] =	sst s5  }
0xe: {  	[smem:$0x3FB5] =	sst s6  }
0xf: {  	[smem:$0x3FB6] =	sst s7  }
0x10: {  	[smem:$0x3FB7] =	sst s8  }
0x11: {  	[smem:$0x3FB8] =	sst s9;
	s0 =	simm.s32 @!p0 $0x0  }
0x12: {  	s1 =	sld [smem:$0x3F9E];
	s0 =	simm.s32 @p0 $0x1  }
0x13: {  	[smem:$0x3FB9] =	sst s0;
	s0 =	simm.s32 @!p1 $0x0  }
0x14: {  	s2 =	sld [smem:$0x3F9D];
	s0 =	simm.s32 @p1 $0x1  }
0x15: {  	[smem:$0x3FBA] =	sst s0;
	s0 =	simm.s32 @!p2 $0x0  }
0x16: {  	s3 =	sld [smem:$0x3FDB];
	s0 =	simm.s32 @p2 $0x1  }
0x17: {  	s4 =	simm.s32 $0x1BF5;
	[smem:$0x3FBC] =	sst s0  }
0x18: {  	s0 =	sld [smem:$0x3F9F];
	_ =	swait.ge [sflag:s4], $0x0  }
0x19: {  	s7 =	sld [smem:$0x3FA0]  }
0x1a: {  	s8 =	sadd.s32 $0xFFFFE003, lr  }
0x1b: {  	s9 =	sadd.s32 $0xFFFFFEF7, lr;
	s5 =	simm.s32 $0xFFFFFFFF;
	p2 =	slt.u32 s8, $0xFFFFF086  }
0x1c: {  	p1 =	slt.u32 s9, $0xF7A;
	s5 =	simm.s32 @!p2 $0x0  }
0x1d: {  	s5 =	simm.s32 @p1 $0x1;
	p0 =	seq.s32 s7, s2  }
0x1e: {  	s7 =	smul.u32 @!p0 $0xF7A, s2;
	p2 =	seq.s32 @!p0 s5, $0x0  }
0x1f: {  	s9 =	smul.u32 $0xF7A, s1;
	s8 =	simm.s32 @!p0 $0x1BF5;
	p2 =	por !p2, p0  }
0x20: {  	[sflag:s8] =	ssyncset.s32 @!p0 $0xFFFFF086;
	s6 =	sadd.s32 @!p0 s3, s7;
	s7 =	simm.s32 @!p0 $0x108  }
0x21: {  	s3 =	sadd.s32 s3, s9;
	s6 =	sadd.s32 @!p0 $0x88, s6;
	s7 =	simm.s32 @p2 $0x1082  }
0x22: {  	[simem:s7], [sflag:s8] =	dma.local @!p0 [hbm:s6], $0xF7A  }
0x23: {  	s9 =	sor.u32 $0xD0000000, s2;
	s6 =	simm.s32 $0x108;
	_ =	swait.ge @!p0 [sflag:s8], $0x0  }
0x24: {  	s3 =	sadd.s32 $0x88, s3;
	s6 =	simm.s32 @!p1 $0x1082;
	[sflag:s4] =	ssyncset.s32 $0xFFFFF086  }
0x25: {  	[simem:s6], [sflag:s4] =	dma.local [hbm:s3], $0xF7A  }
0x26: {  	[smem:$0x3FA0] =	sst s1;
	(tag) =	ssettag s2;
	_ =	strace s9  }
0x27: {  	s1 =	sld [smem:$0x3FB0]  }
0x28: {  	s2 =	sld [smem:$0x3FB1]  }
0x29: {  	s4 =	sld [smem:$0x3FB3]  }
0x2a: {  	p0 =	seq.s32 s5, $0x0;
	s5 =	sld [smem:$0x3FB4]  }
0x2b: {  	s6 =	sld [smem:$0x3FB5]  }
0x2c: {  	s7 =	sld [smem:$0x3FB6]  }
0x2d: {  	s3 =	simm.s32 $0x108;
	s8 =	sld [smem:$0x3FB7]  }
0x2e: {  	s3 =	simm.s32 @!p0 $0x1082;
	s9 =	sld [smem:$0x3FB8]  }
0x2f: {  	lr =	sadd.s32 s0, s3;
	s0 =	sld [smem:$0x3FAF]  }
0x30: {  	s3 =	sld [smem:$0x3FB2]  }
0x31: {  	[smem:$0x3FBB] =	sst s10  }
0x32: {  	s10 =	sld [smem:$0x3FB9];
	_ =	sdelay $0x3  }
0x33: {  	p0 =	seq.s32 s10, $0x1;
	s10 =	sld [smem:$0x3FBB];
	_ =	sdelay $0x3  }
0x34: {  	[smem:$0x3FBB] =	sst s10  }
0x35: {  	s10 =	sld [smem:$0x3FBA];
	_ =	sdelay $0x3  }
0x36: {  	p1 =	seq.s32 s10, $0x1;
	s10 =	sld [smem:$0x3FBB];
	_ =	sdelay $0x3  }
0x37: {  	[smem:$0x3FBB] =	sst s10  }
0x38: {  	s10 =	sld [smem:$0x3FBC]  }
0x39: {  	_ = 	snop;
	(pc) =	sbr.ind lr, $3  }
0x3a: {  	_ = 	snop  }
0x3b: {  	_ = 	snop  }
0x3c: {  	p2 =	seq.s32 s10, $0x1;
	s10 =	sld [smem:$0x3FBB]  }
0x3d: {  	_ =	shalt  }
0x3e: {  	_ =	shalt  }
0x3f: {  	_ =	shalt  }
0x40: {  	_ =	shalt  }
0x41: {  	_ =	shalt  }
0x42: {  	_ =	shalt  }
0x43: {  	_ =	shalt  }
0x44: {  	_ =	shalt  }
0x45: {  	_ =	shalt  }
0x46: {  	_ =	shalt  }
0x47: {  	_ =	shalt  }
0x48: {  	_ =	shalt  }
0x49: {  	_ =	shalt  }
0x4a: {  	_ =	shalt  }
0x4b: {  	_ =	shalt  }
0x4c: {  	_ =	shalt  }
0x4d: {  	_ =	shalt  }
0x4e: {  	_ =	shalt  }
0x4f: {  	_ =	shalt  }
0x50: {  	_ =	shalt  }
0x51: {  	_ =	shalt  }
0x52: {  	_ =	shalt  }
0x53: {  	_ =	shalt  }
0x54: {  	_ =	shalt  }
0x55: {  	_ =	shalt  }
0x56: {  	_ =	shalt  }
0x57: {  	_ =	shalt  }
0x58: {  	_ =	shalt  }
0x59: {  	_ =	shalt  }
0x5a: {  	_ =	shalt  }
0x5b: {  	_ =	shalt  }
0x5c: {  	_ =	shalt  }
0x5d: {  	_ =	shalt  }
0x5e: {  	_ =	shalt  }
0x5f: {  	_ =	shalt  }
0x60: {  	_ =	shalt  }
0x61: {  	_ =	shalt  }
0x62: {  	_ =	shalt  }
0x63: {  	_ =	shalt  }
0x64: {  	_ =	shalt  }
0x65: {  	_ =	shalt  }
0x66: {  	_ =	shalt  }
0x67: {  	_ =	shalt  }
0x68: {  	_ =	shalt  }
0x69: {  	_ =	shalt  }
0x6a: {  	_ =	shalt  }
0x6b: {  	_ =	shalt  }
0x6c: {  	_ =	shalt  }
0x6d: {  	_ =	shalt  }
0x6e: {  	_ =	shalt  }
0x6f: {  	_ =	shalt  }
0x70: {  	_ =	shalt  }
0x71: {  	_ =	shalt  }
0x72: {  	_ =	shalt  }
0x73: {  	_ =	shalt  }
0x74: {  	_ =	shalt  }
0x75: {  	_ =	shalt  }
0x76: {  	_ =	shalt  }
0x77: {  	_ =	shalt  }
0x78: {  	_ =	shalt  }
0x79: {  	_ =	shalt  }
0x7a: {  	_ =	shalt  }
0x7b: {  	_ =	shalt  }
0x7c: {  	_ =	shalt  }
0x7d: {  	_ =	shalt  }
0x7e: {  	_ =	shalt  }
0x7f: {  	_ =	shalt  }
0x80: {  	_ =	shalt  }
0x81: {  	_ =	shalt  }
0x82: {  	_ =	shalt  }
0x83: {  	_ =	shalt  }
0x84: {  	_ =	shalt  }
0x85: {  	_ =	shalt  }
0x86: {  	_ =	shalt  }
0x87: {  	_ =	shalt  }
.Lfunc_end0:
.L_simem_size_0:
called_computation.1_lowered:
.L_overlay_start_0:
0x88: {  	s2 =	sld [smem:$0x3FD9]  }
0x89: {  	s3 =	sld [smem:$0x3FFE];
	_ =	sdelay $0x1  }
0x8a: {  	s1 =	srdreg.scid  }
0x8b: {  	s0 =	sand.u32 $0x1, s1  }
0x8c: {  	s16 =	sshll.u32 s0, $0xA;
	s2 =	sadd.s32 s3, s2  }
0x8d: {  	s2 =	sadd.s32 s2, s16  }
0x8e: {  	[smem:$0x3FC7] =	sst s2  }
0x8f: {  	_ = 	snop  }
0x90: {  	(tm) =	ssettm $0x1  }
0x91: {  	s17 =	sld [smem:$0x3FFB];
	_ =	sdelay $0x3  }
0x92: {  	_ =	strace s17  }
0x93: {  	s2 =	sld [smem:$0x3FFC];
	_ =	sdelay $0x3  }
0x94: {  	_ =	strace s2  }
0x95: {  	s2 =	sld [smem:$0x3FFD];
	_ =	sdelay $0x3  }
0x96: {  	_ =	strace s2  }
0x97: {  	_ =	strace $0x8FFFFFFF  }
0x98: {  	s18 =	sld [smem:$0x3FDB];
	_ =	sdelay $0x1  }
0x99: {  	s19 =	simm.s32 $_scs_section_size  }
0x9a: {  	s4 =	simm.s32 $_size__tile_overlayer_lowered;
	s5 =	simm.s32 $_tile_overlayer_lowered  }
0x9b: {  	s22 =	simm.s32 $0x1BFF;
	s21 =	sshll.u32 s5, $0x1;
	s2 =	sadd.s32 s19, s18  }
0x9c: {  	s6 =	simm.s32 $0x0;
	s20 =	sshll.u32 s4, $0x1;
	s4 =	sadd.s32 s21, s2  }
0x9d: {  	[timem:s6], [sflag:s22] =	dma.local [hbm:s4], s20  }
0x9e: {  	_ =	swait.ge [sflag:s22], s20  }
0x9f: {  	s3 =	ssub.s32 $0x0, s20;
	[sflag:s22] =	ssyncset.done $0x0  }
0xa0: {  	[sflag:s22] =	ssyncadd.s32 s3;
	_ =	sdelay $0x1  }
0xa1: {  	s23 =	simm.s32 $0x1B8B  }
0xa2: {  	_ =	swait.ge [sflag:s23], $0x1  }
0xa3: {  	[sflag:s23] =	ssyncset.done $0x0  }
0xa4: {  	s25 =	simm.s32 $0x1B8E;
	s24 =	sld [smem:$0x3FFE];
	[sflag:s23] =	ssyncadd.s32 $0xFFFFFFFF  }
0xa5: {  	s26 =	simm.s32 $execute0_lowered;
	[smem:$0x3FD2] =	sst s25  }
0xa6: {  	s4 =	sshll.u32 s26, $0x1;
	_ =	strace $0x80000049;
	[dreg:$0x1] =	wrdreg $0xFFFFFFFF  }
0xa7: {  	s28 =	simm.s32 $_size_execute0_lowered;
	s2 =	sadd.s32 s2, s4;
	[dreg:$0x0] =	wrdreg $0x0  }
0xa8: {  	s4 =	sshll.u32 s28, $0x1;
	[dreg:$0x2] =	wrdreg s2  }
0xa9: {  	[dreg:$0x3] =	wrdreg s4  }
0xaa: {  	[dreg:$0x4] =	wrdreg $0xC0  }
0xab: {  	_ =	task [dreg:s6], $0x5FFFF  }
0xac: {  	[dreg:$0x1] =	wrdreg $0xFFFFFFFF  }
0xad: {  	[dreg:$0x0] =	wrdreg $0x60  }
0xae: {  	[dreg:$0x2] =	wrdreg s24  }
0xaf: {  	[dreg:$0x3] =	wrdreg $0x9  }
0xb0: {  	_ =	task.clear_ibuf [dreg:s6], $0x4FFFF;
	_ =	strace $0x90000049  }
0xb1: {  	s29 =	simm.s32 $0x9;
	_ =	strace $0x8000004B  }
0xb2: {  	_ =	swait.ge [sflag:s29], $0x1  }
0xb3: {  	[sflag:s29] =	ssyncadd.s32 $0xFFFFFFFF  }
0xb4: {  	_ =	strace $0x9000004B  }
0xb5: {  	_ =	sfence  }
0xb6: {  	s30 =	sld [smem:$0x0];
	_ =	sdelay $0x2  }
0xb7: {  	s31 =	sshll.u32 s1, $0xD;
	s1 =	sshrl.u32 s1, $0x2  }
0xb8: {  	s3 =	sand.u32 $0x4000, s31;
	s1 =	sadd.s32 s1, s30  }
0xb9: {  	s0 =	sor.u32 s3, s0;
	s1 =	sshll.u32 s1, $0x11  }
0xba: {  	s0 =	sor.u32 s1, s0  }
0xbb: {  	s0 =	sadd.s32 $0x8F2B, s0  }
0xbc: {  	[sflag:s0] =	ssyncadd.remote.s32 $0x1  }
0xbd: {  	_ =	sfence.sel $0xFFFF  }
0xbe: {  	[dreg:$0x0] =	wrdreg $0xFFFFFFFF;
	(pc) =	sbr.abs _section_cstart, $3  }
0xbf: {  	[dreg:$0x1] =	wrdreg $0xFFFFFFFF  }
0xc0: {  	_ =	task.clear_ibuf [dreg:s6], $0x2FFFF;
	_ =	strace $0x9FFFFFFF  }
0xc1: {  	(tm) =	ssettm $0x7FFFFFFF  }
tec
execute0_lowered:
.L_overlay_start_1:
0x0: {  	(tag) =	ssettag $0x1  }
0x1: {  	s1 =	srdreg.scid  }
0x2: {  	s0 =	stileid.u32;
	s5 =	rddreg [dreg:$0x0]  }
0x3: {  	s2 =	simm.s32 $0x0;
	s10 =	simm.s32 $0x4000;
	s11 =	simm.s32 $0x1  }
0x4: {  	s12 =	simm.s32 $0x8000;
	s13 =	simm.s32 $0xC000;
	s14 =	simm.s32 $0x3  }
0x5: {  	s15 =	simm.s32 $0x4;
	s16 =	simm.s32 $0x0;
	s4 =	sand.u32 $0x1, s1  }
0x6: {  	s3 =	sshll.u32 s0, $0x11;
	s1 =	rddreg [dreg:$0x1];
	s6 =	sshll.u32 s4, $0x10  }
.Ltmp0:
0x7: {  	s31 =	ssub.s32 $0x2, s4;
	s3 =	sor.u32 s6, s3;
	(pc) =	sbr.rel .LBB2_1-.Ltmp0, $4  }
0x8: {  	[smem:$0x7FF] =	sst s2;
	s7 =	sshrl.u32 s31, $0x1;
	s6 =	sshrl.u32 s3, $0x3  }
0x9: {  	_ =	strace $0x8000004A;
	s9 =	ssub.s32 s31, s7;
	s8 =	sadd.s32 s6, s5  }
0xa: {  	s4 =	sadd.s32 $0x400800, s5;
	s9 =	smax.u32 s9, $0x1;
	s5 =	sadd.s32 $0x3C0800, s8  }
0xb: {  	s6 =	sadd.s32 $0x3C1000, s8;
	s7 =	sadd.s32 $0x3C1800, s8;
	s8 =	sadd.s32 $0x3C2000, s8  }
.LBB2_8:
0xc: {  	s16 =	sadd.s32 $0x1, s16  }
0xd: {  	_ =	swait.ge [sflag:s14], $0x4000;
	p0 =	sne.s32 s16, s9  }
.Ltmp1:
0xe: {  	[sflag:s14] =	ssyncset.done $0x0;
	(pc) =	sbr.rel @!p0 .LBB2_9-.Ltmp1, $4  }
0xf: {  	[sflag:s14] =	ssyncadd.s32 $0xFFFFC000  }
0x10: {  	_ =	swait.ge [sflag:s15], $0x4000  }
0x11: {  	[sflag:s15] =	ssyncset.done $0x0  }
0x12: {  	[sflag:s15] =	ssyncadd.s32 $0xFFFFC000  }
.LBB2_1:
0x13: {  	[tilespmem:s2], [sflag:$0x1] =	stream.linear.gather [hbm4b:s5+s2], $0x4000, $0x38;
	[tilespmem:$0x10000] =	vst v63  }
0x14: {  	p0 =	por $0x1, $0x1;
	s18 =	smov.u32 s6;
	s17 =	simm.s32 $0x0  }
.LBB2_2:
0x15: {  	[tilespmem:s10], [sflag:$0x2] =	stream.linear.gather [hbm4b:s18+s2], $0x4000, $0x38;
	[tilespmem:$0x10000] =	vst v63  }
0x16: {  	_ =	swait.ge [sflag:s11], $0x4000  }
0x17: {  	[sflag:s11] =	ssyncset.done $0x0  }
0x18: {  	s18 =	simm.s32 @!p0 $0x3;
	[sflag:s11] =	ssyncadd.s32 $0xFFFFC000  }
0x19: {  	_ =	swait.ge @!p0 [sflag:s18], $0x4000  }
0x1a: {  	[sflag:s18] =	ssyncset.done @!p0 $0x0  }
0x1b: {  	s31 =	simm.s32 $0x40;
	[sflag:s18] =	ssyncadd.s32 @!p0 $0xFFFFC000  }
0x1c: {  	v0 =	vld [tilespmem:s31+$0x30]  }
0x1d: {  	v1 =	vld [tilespmem:s31+$0xFFFFFFD0]  }
0x1e: {  	v2 =	vld [tilespmem:s31+$0xFFFFFFE0]  }
0x1f: {  	v3 =	vld [tilespmem:s31+$0xFFFFFFF0]  }
0x20: {  	v4 =	vld [tilespmem:s31+$0x0]  }
0x21: {  	s19 =	simm.s32 $0xC0;
	v5 =	vld [tilespmem:s31+$0x10]  }
0x22: {  	v8 =	vld [tilespmem:s19+$0x30]  }
0x23: {  	v7 =	vld [tilespmem:s31+$0x20];
	v6 =	vadd.f32 $1.000000000e+00, v0;
	vm0 =	vgt.f32 v1, $-1.000000000e+00;
	v1 =	vadd.f32 $1.000000000e+00, v1  }
0x24: {  	vm1 =	vgt.f32 v0, $-1.000000000e+00;
	v0 =	vld [tilespmem:s31+$0xFFFFFFC0];
	vm2 =	vgt.f32 v2, $-1.000000000e+00;
	v2 =	vadd.f32 $1.000000000e+00, v2  }
0x25: {  	s18 =	simm.s32 $0x8040;
	vm3 =	vgt.f32 v4, $-1.000000000e+00;
	v4 =	vadd.f32 $1.000000000e+00, v4;
	v6 =	vsel vm1, $0x40400000, v6  }
0x26: {  	v9 =	vld [tilespmem:s19+$0xFFFFFFE0];
	vm1 =	vgt.f32 v3, $-1.000000000e+00;
	v3 =	vadd.f32 $1.000000000e+00, v3;
	v1 =	vsel vm0, $0x40400000, v1;
	[tilespmem:s18+$0x30] =	vst v6  }
0x27: {  	v10 =	vadd.f32 $1.000000000e+00, v5;
	v11 =	vadd.f32 $1.000000000e+00, v8;
	v6 =	vld [tilespmem:s19+$0xFFFFFFD0];
	[tilespmem:s18+$0xFFFFFFD0] =	vst v1;
	v1 =	vsel vm2, $0x40400000, v2  }
0x28: {  	vm2 =	vgt.f32 v5, $-1.000000000e+00;
	v2 =	vld [tilespmem:s19+$0xFFFFFFF0];
	[tilespmem:s18+$0xFFFFFFE0] =	vst v1;
	v3 =	vsel vm1, $0x40400000, v3;
	vm1 =	vgt.f32 v7, $-1.000000000e+00  }
0x29: {  	v7 =	vadd.f32 $1.000000000e+00, v7;
	v1 =	vld [tilespmem:s19+$0x0];
	vm0 =	vgt.f32 v0, $-1.000000000e+00;
	[tilespmem:s18+$0xFFFFFFF0] =	vst v3;
	v3 =	vsel vm3, $0x40400000, v4  }
0x2a: {  	v5 =	vadd.f32 $1.000000000e+00, v0;
	v0 =	vld [tilespmem:s19+$0x10];
	v4 =	vsel vm2, $0x40400000, v10;
	vm3 =	vgt.f32 v8, $-1.000000000e+00;
	[tilespmem:s18+$0x0] =	vst v3  }
0x2b: {  	vm2 =	vgt.f32 v9, $-1.000000000e+00;
	v10 =	vsel vm1, $0x40400000, v7;
	v3 =	vld [tilespmem:s19+$0x20];
	[tilespmem:s18+$0x10] =	vst v4;
	v7 =	vadd.f32 $1.000000000e+00, v9  }
0x2c: {  	s20 =	simm.s32 $0x80;
	s21 =	simm.s32 $0x140;
	v4 =	vld [tilespmem:s19+$0xFFFFFFC0];
	v8 =	vsel vm3, $0x40400000, v11;
	s19 =	simm.s32 $0x80C0;
	[tilespmem:s18+$0x20] =	vst v10;
	vm1 =	vgt.f32 v6, $-1.000000000e+00;
	v6 =	vadd.f32 $1.000000000e+00, v6  }
.LBB2_3:
0x2d: {  	v9 =	vld [tilespmem:s21+$0x30];
	s20 =	sadd.s32 $0x80, s20;
	vm3 =	vgt.f32 v2, $-1.000000000e+00;
	v10 =	vadd.f32 $1.000000000e+00, v2;
	[tilespmem:s19+$0x30] =	vst v8;
	v2 =	vsel vm0, $0x40400000, v5  }
0x2e: {  	v5 =	vsel vm1, $0x40400000, v6;
	v8 =	vld [tilespmem:s21+$0xFFFFFFD0];
	p1 =	slt.u32 s20, $0x3F80;
	vm1 =	vgt.f32 v1, $-1.000000000e+00;
	v6 =	vadd.f32 $1.000000000e+00, v1;
	[tilespmem:s18+$0xFFFFFFC0] =	vst v2;
	s18 =	smov.u32 s19  }
0x2f: {  	v1 =	vsel vm2, $0x40400000, v7;
	v11 =	vld [tilespmem:s21+$0xFFFFFFE0];
	[tilespmem:s19+$0xFFFFFFD0] =	vst v5;
	vm2 =	vgt.f32 v0, $-1.000000000e+00;
	v7 =	vadd.f32 $1.000000000e+00, v0  }
.Ltmp2:
0x30: {  	v0 =	vsel vm3, $0x40400000, v10;
	v2 =	vld [tilespmem:s21+$0xFFFFFFF0];
	[tilespmem:s19+$0xFFFFFFE0] =	vst v1;
	vm3 =	vgt.f32 v3, $-1.000000000e+00;
	v3 =	vadd.f32 $1.000000000e+00, v3;
	(pc) =	sbr.rel @p1 .LBB2_3-.Ltmp2, $4  }
0x31: {  	v1 =	vld [tilespmem:s21+$0x0];
	vm0 =	vgt.f32 v4, $-1.000000000e+00;
	v5 =	vadd.f32 $1.000000000e+00, v4;
	[tilespmem:s19+$0xFFFFFFF0] =	vst v0;
	v4 =	vsel vm1, $0x40400000, v6  }
0x32: {  	v0 =	vld [tilespmem:s21+$0x10];
	v10 =	vadd.f32 $1.000000000e+00, v9;
	[tilespmem:s19+$0x0] =	vst v4;
	v4 =	vsel vm2, $0x40400000, v7;
	v12 =	vsel vm3, $0x40400000, v3  }
0x33: {  	vm3 =	vgt.f32 v9, $-1.000000000e+00;
	vm1 =	vgt.f32 v8, $-1.000000000e+00;
	v6 =	vadd.f32 $1.000000000e+00, v8;
	v3 =	vld [tilespmem:s21+$0x20];
	[tilespmem:s19+$0x10] =	vst v4  }
0x34: {  	s19 =	sadd.s32 $0x80, s19;
	v4 =	vld [tilespmem:s21+$0xFFFFFFC0];
	vm2 =	vgt.f32 v11, $-1.000000000e+00;
	v7 =	vadd.f32 $1.000000000e+00, v11;
	v8 =	vsel vm3, $0x40400000, v10;
	s21 =	sadd.s32 $0x80, s21;
	[tilespmem:s18+$0x20] =	vst v12  }
0x35: {  	[tilespmem:s19+$0x30] =	vst v8;
	v5 =	vsel vm0, $0x40400000, v5  }
0x36: {  	v8 =	vadd.f32 $1.000000000e+00, v2;
	v6 =	vsel vm1, $0x40400000, v6;
	[tilespmem:s18+$0xFFFFFFC0] =	vst v5  }
0x37: {  	vm0 =	vgt.f32 v2, $-1.000000000e+00;
	v2 =	vadd.f32 $1.000000000e+00, v1;
	[tilespmem:s19+$0xFFFFFFD0] =	vst v6;
	v5 =	vsel vm2, $0x40400000, v7  }
0x38: {  	vm1 =	vgt.f32 v1, $-1.000000000e+00;
	v1 =	vadd.f32 $1.000000000e+00, v0;
	[tilespmem:s19+$0xFFFFFFE0] =	vst v5;
	v5 =	vsel vm0, $0x40400000, v8  }
0x39: {  	vm0 =	vgt.f32 v0, $-1.000000000e+00;
	v0 =	vadd.f32 $1.000000000e+00, v3;
	[tilespmem:s19+$0xFFFFFFF0] =	vst v5;
	v2 =	vsel vm1, $0x40400000, v2  }
0x3a: {  	vm1 =	vgt.f32 v3, $-1.000000000e+00;
	v3 =	vadd.f32 $1.000000000e+00, v4;
	[tilespmem:s19+$0x0] =	vst v2;
	v1 =	vsel vm0, $0x40400000, v1  }
0x3b: {  	s17 =	sor.u32 s3, s17;
	vm0 =	vgt.f32 v4, $-1.000000000e+00;
	v0 =	vsel vm1, $0x40400000, v0;
	[tilespmem:s19+$0x10] =	vst v1  }
0x3c: {  	s17 =	sshrl.u32 s17, $0x3;
	[tilespmem:s19+$0x20] =	vst v0;
	v0 =	vsel vm0, $0x40400000, v3  }
0x3d: {  	s18 =	simm.s32 @!p0 $0x2;
	s29 =	sadd.s32 s4, s17;
	[tilespmem:s19+$0xFFFFFFC0] =	vst v0  }
0x3e: {  	[hbm4b:s29+s2] =	stream.linear.scatter [tilespmem:s12], [sflag:$0x3], $0x4000, $0x38;
	[tilespmem:$0x10000] =	vst v63  }
0x3f: {  	_ =	swait.ge @!p0 [sflag:s18], $0x4000  }
0x40: {  	[sflag:s18] =	ssyncset.done @!p0 $0x0  }
0x41: {  	s19 =	simm.s32 @p0 $0x0;
	[sflag:s18] =	ssyncadd.s32 @!p0 $0xFFFFC000;
	s18 =	simm.s32 @!p0 $0x4  }
0x42: {  	[tilespmem:s19], [sflag:$0x1] =	stream.linear.gather @p0 [hbm4b:s7+s19], $0x4000, $0x38;
	[tilespmem:$0x10000] =	vst v63  }
0x43: {  	s18 =	simm.s32 @p0 $0x2  }
0x44: {  	_ =	swait.ge [sflag:s18], $0x4000  }
0x45: {  	[sflag:s18] =	ssyncset.done $0x0  }
0x46: {  	s30 =	simm.s32 $0x4040;
	[sflag:s18] =	ssyncadd.s32 $0xFFFFC000  }
0x47: {  	v0 =	vld [tilespmem:s30+$0x30]  }
0x48: {  	v1 =	vld [tilespmem:s30+$0xFFFFFFD0]  }
0x49: {  	v2 =	vld [tilespmem:s30+$0xFFFFFFE0]  }
0x4a: {  	v3 =	vld [tilespmem:s30+$0xFFFFFFF0]  }
0x4b: {  	v4 =	vld [tilespmem:s30+$0x0]  }
0x4c: {  	s31 =	simm.s32 $0x40C0;
	v5 =	vld [tilespmem:s30+$0x10]  }
0x4d: {  	v8 =	vld [tilespmem:s31+$0x30]  }
0x4e: {  	v7 =	vld [tilespmem:s30+$0x20];
	v6 =	vadd.f32 $1.000000000e+00, v0;
	vm0 =	vgt.f32 v1, $-1.000000000e+00;
	v1 =	vadd.f32 $1.000000000e+00, v1  }
0x4f: {  	vm1 =	vgt.f32 v0, $-1.000000000e+00;
	v0 =	vld [tilespmem:s30+$0xFFFFFFC0];
	vm2 =	vgt.f32 v2, $-1.000000000e+00;
	v2 =	vadd.f32 $1.000000000e+00, v2  }
0x50: {  	s18 =	simm.s32 $0xC040;
	vm3 =	vgt.f32 v4, $-1.000000000e+00;
	v4 =	vadd.f32 $1.000000000e+00, v4;
	v6 =	vsel vm1, $0x40400000, v6  }
0x51: {  	v9 =	vld [tilespmem:s31+$0xFFFFFFE0];
	vm1 =	vgt.f32 v3, $-1.000000000e+00;
	v3 =	vadd.f32 $1.000000000e+00, v3;
	v1 =	vsel vm0, $0x40400000, v1;
	[tilespmem:s18+$0x30] =	vst v6  }
0x52: {  	v10 =	vadd.f32 $1.000000000e+00, v5;
	v11 =	vadd.f32 $1.000000000e+00, v8;
	v6 =	vld [tilespmem:s31+$0xFFFFFFD0];
	[tilespmem:s18+$0xFFFFFFD0] =	vst v1;
	v1 =	vsel vm2, $0x40400000, v2  }
0x53: {  	vm2 =	vgt.f32 v5, $-1.000000000e+00;
	v2 =	vld [tilespmem:s31+$0xFFFFFFF0];
	[tilespmem:s18+$0xFFFFFFE0] =	vst v1;
	v3 =	vsel vm1, $0x40400000, v3;
	vm1 =	vgt.f32 v7, $-1.000000000e+00  }
0x54: {  	v7 =	vadd.f32 $1.000000000e+00, v7;
	v1 =	vld [tilespmem:s31+$0x0];
	vm0 =	vgt.f32 v0, $-1.000000000e+00;
	[tilespmem:s18+$0xFFFFFFF0] =	vst v3;
	v3 =	vsel vm3, $0x40400000, v4  }
0x55: {  	v5 =	vadd.f32 $1.000000000e+00, v0;
	v0 =	vld [tilespmem:s31+$0x10];
	v4 =	vsel vm2, $0x40400000, v10;
	vm3 =	vgt.f32 v8, $-1.000000000e+00;
	[tilespmem:s18+$0x0] =	vst v3  }
0x56: {  	vm2 =	vgt.f32 v9, $-1.000000000e+00;
	v10 =	vsel vm1, $0x40400000, v7;
	v3 =	vld [tilespmem:s31+$0x20];
	[tilespmem:s18+$0x10] =	vst v4;
	v7 =	vadd.f32 $1.000000000e+00, v9  }
0x57: {  	s20 =	simm.s32 $0x80;
	s21 =	simm.s32 $0x4140;
	s19 =	simm.s32 $0xC0C0;
	v4 =	vld [tilespmem:s31+$0xFFFFFFC0];
	v8 =	vsel vm3, $0x40400000, v11;
	[tilespmem:s18+$0x20] =	vst v10;
	vm1 =	vgt.f32 v6, $-1.000000000e+00;
	v6 =	vadd.f32 $1.000000000e+00, v6  }
.LBB2_5:
0x58: {  	v9 =	vld [tilespmem:s21+$0x30];
	s20 =	sadd.s32 $0x80, s20;
	vm3 =	vgt.f32 v2, $-1.000000000e+00;
	v10 =	vadd.f32 $1.000000000e+00, v2;
	[tilespmem:s19+$0x30] =	vst v8;
	v2 =	vsel vm0, $0x40400000, v5  }
0x59: {  	v5 =	vsel vm1, $0x40400000, v6;
	v8 =	vld [tilespmem:s21+$0xFFFFFFD0];
	p1 =	slt.u32 s20, $0x3F80;
	vm1 =	vgt.f32 v1, $-1.000000000e+00;
	v6 =	vadd.f32 $1.000000000e+00, v1;
	[tilespmem:s18+$0xFFFFFFC0] =	vst v2;
	s18 =	smov.u32 s19  }
0x5a: {  	v1 =	vsel vm2, $0x40400000, v7;
	v11 =	vld [tilespmem:s21+$0xFFFFFFE0];
	[tilespmem:s19+$0xFFFFFFD0] =	vst v5;
	vm2 =	vgt.f32 v0, $-1.000000000e+00;
	v7 =	vadd.f32 $1.000000000e+00, v0  }
.Ltmp3:
0x5b: {  	v0 =	vsel vm3, $0x40400000, v10;
	v2 =	vld [tilespmem:s21+$0xFFFFFFF0];
	[tilespmem:s19+$0xFFFFFFE0] =	vst v1;
	vm3 =	vgt.f32 v3, $-1.000000000e+00;
	v3 =	vadd.f32 $1.000000000e+00, v3;
	(pc) =	sbr.rel @p1 .LBB2_5-.Ltmp3, $4  }
0x5c: {  	v1 =	vld [tilespmem:s21+$0x0];
	vm0 =	vgt.f32 v4, $-1.000000000e+00;
	v5 =	vadd.f32 $1.000000000e+00, v4;
	[tilespmem:s19+$0xFFFFFFF0] =	vst v0;
	v4 =	vsel vm1, $0x40400000, v6  }
0x5d: {  	v0 =	vld [tilespmem:s21+$0x10];
	v10 =	vadd.f32 $1.000000000e+00, v9;
	[tilespmem:s19+$0x0] =	vst v4;
	v4 =	vsel vm2, $0x40400000, v7;
	v12 =	vsel vm3, $0x40400000, v3  }
0x5e: {  	vm3 =	vgt.f32 v9, $-1.000000000e+00;
	vm1 =	vgt.f32 v8, $-1.000000000e+00;
	v6 =	vadd.f32 $1.000000000e+00, v8;
	v3 =	vld [tilespmem:s21+$0x20];
	[tilespmem:s19+$0x10] =	vst v4  }
0x5f: {  	s19 =	sadd.s32 $0x80, s19;
	v4 =	vld [tilespmem:s21+$0xFFFFFFC0];
	vm2 =	vgt.f32 v11, $-1.000000000e+00;
	v7 =	vadd.f32 $1.000000000e+00, v11;
	v8 =	vsel vm3, $0x40400000, v10;
	s21 =	sadd.s32 $0x80, s21;
	[tilespmem:s18+$0x20] =	vst v12  }
0x60: {  	[tilespmem:s19+$0x30] =	vst v8;
	v5 =	vsel vm0, $0x40400000, v5  }
0x61: {  	v56 =	vadd.f32 $1.000000000e+00, v2;
	v6 =	vsel vm1, $0x40400000, v6;
	[tilespmem:s18+$0xFFFFFFC0] =	vst v5  }
0x62: {  	vm11 =	vgt.f32 v2, $-1.000000000e+00;
	v57 =	vadd.f32 $1.000000000e+00, v1;
	[tilespmem:s19+$0xFFFFFFD0] =	vst v6;
	v58 =	vsel vm2, $0x40400000, v7  }
0x63: {  	vm12 =	vgt.f32 v1, $-1.000000000e+00;
	v59 =	vadd.f32 $1.000000000e+00, v0;
	[tilespmem:s19+$0xFFFFFFE0] =	vst v58;
	v60 =	vsel vm11, $0x40400000, v56  }
0x64: {  	vm13 =	vgt.f32 v0, $-1.000000000e+00;
	v61 =	vadd.f32 $1.000000000e+00, v3;
	[tilespmem:s19+$0xFFFFFFF0] =	vst v60;
	v2 =	vsel vm12, $0x40400000, v57  }
.Ltmp4:
0x65: {  	vm14 =	vgt.f32 v3, $-1.000000000e+00;
	v62 =	vadd.f32 $1.000000000e+00, v4;
	[tilespmem:s19+$0x0] =	vst v2;
	v1 =	vsel vm13, $0x40400000, v59;
	(pc) =	sbr.rel @!p0 .LBB2_8-.Ltmp4, $4  }
0x66: {  	vm15 =	vgt.f32 v4, $-1.000000000e+00;
	v0 =	vsel vm14, $0x40400000, v61;
	[tilespmem:s19+$0x10] =	vst v1  }
0x67: {  	s17 =	sadd.s32 s17, s4;
	[tilespmem:s19+$0x20] =	vst v0;
	v63 =	vsel vm15, $0x40400000, v62  }
0x68: {  	s17 =	sadd.s32 $0x800, s17;
	[tilespmem:s19+$0xFFFFFFC0] =	vst v63  }
0x69: {  	[hbm4b:s17+s2] =	stream.linear.scatter [tilespmem:s13], [sflag:$0x4], $0x4000, $0x38;
	[tilespmem:$0x10000] =	vst v63  }
.Ltmp5:
0x6a: {  	(pc) =	sbr.rel .LBB2_2-.Ltmp5, $2  }
0x6b: {  	_ =	sdelay $0x2  }
0x6c: {  	s17 =	simm.s32 $0x8000;
	p0 =	por $0x0, $0x0;
	s18 =	smov.u32 s8  }
.LBB2_9:
0x6d: {  	_ =	sfence.sel $0x180000  }
0x6e: {  	[bflag:$0x0] =	sbarrier.arrive $0xFFFF  }
0x6f: {  	p0 =	sne.s32 s0, $0x0;
	_ =	strace $0x9000004A  }
0x70: {  	s0 =	sadd.s32 @!p0 $0x100000, s1;
	[bflag:$0x2] =	sbarrier.arrive $0xFFFF  }
0x71: {  	[sflag:s0] =	ssyncadd.tile.s32 @!p0 $0x1;
	_ =	shalt  }
.Lfunc_end2:
_tile_overlayer_lowered:
.L_overlay_start_2:
0x72: {  	(tag) =	ssettag $0x2  }
0x73: {  	s0 =	rddreg [dreg:$0x0];
	s2 =	stileid.u32  }
0x74: {  	s1 =	rddreg [dreg:$0x1];
	p0 =	sne.s32 s2, $0x0  }
0x75: {  	s3 =	rddreg [dreg:$0x2];
	[bflag:$0x3] =	sbarrier.arrive $0xFFFF;
	s2 =	simm.s32 @!p0 $0x1C05  }
0x76: {  	[timem:s3], [sflag:s2] =	dma.local @!p0 [hbm:s0], s1  }
0x77: {  	s0 =	simm.s32 @!p0 $0x5  }
0x78: {  	_ =	swait.ge @!p0 [sflag:s0], s1  }
0x79: {  	s1 =	ssub.s32 @!p0 $0x0, s1;
	[sflag:s0] =	ssyncset.done @!p0 $0x0  }
0x7a: {  	[sflag:s0] =	ssyncadd.s32 @!p0 s1  }
0x7b: {  	[bflag:$0x3] =	sbarrier.arrive $0xFFFF  }
0x7c: {  	_ =	shalt  }

// kernel: sparse-core-data-format-call.cloned.1.call-start
scs
called_computation_lowered:
.L_overlay_start_0:
0x0: {  	s2 =	sld [smem:$0x3FD9]  }
0x1: {  	s3 =	sld [smem:$0x3FFE];
	_ =	sdelay $0x1  }
0x2: {  	s1 =	srdreg.scid  }
0x3: {  	s0 =	sand.u32 $0x1, s1  }
0x4: {  	s18 =	sshll.u32 s0, $0xA;
	s2 =	sadd.s32 s3, s2  }
0x5: {  	s2 =	sadd.s32 s2, s18  }
0x6: {  	[smem:$0x3FC7] =	sst s2  }
0x7: {  	_ = 	snop  }
0x8: {  	s2 =	sld [smem:$0x3FC9];
	(tm) =	ssettm $0x1  }
0x9: {  	s19 =	sld [smem:$0x3FFB];
	_ =	sdelay $0x3  }
0xa: {  	_ =	strace s19  }
0xb: {  	s3 =	sld [smem:$0x3FFC];
	_ =	sdelay $0x3  }
0xc: {  	_ =	strace s3  }
0xd: {  	s3 =	sld [smem:$0x3FFD];
	_ =	sdelay $0x3  }
0xe: {  	_ =	strace s3  }
0xf: {  	_ =	strace $0x8FFFFFFF  }
0x10: {  	s20 =	sld [smem:$0x3FDB];
	_ =	sdelay $0x1  }
0x11: {  	s4 =	simm.s32 $_scs_section_size  }
0x12: {  	s5 =	simm.s32 $_size__tile_overlayer_lowered;
	s6 =	simm.s32 $_tile_overlayer_lowered  }
0x13: {  	s23 =	simm.s32 $0x1BFF;
	s22 =	sshll.u32 s6, $0x1;
	s3 =	sadd.s32 s4, s20  }
0x14: {  	s7 =	simm.s32 $0x0;
	s21 =	sshll.u32 s5, $0x1;
	s5 =	sadd.s32 s22, s3  }
0x15: {  	[timem:s7], [sflag:s23] =	dma.local [hbm:s5], s21  }
0x16: {  	_ =	swait.ge [sflag:s23], s21  }
0x17: {  	s4 =	ssub.s32 $0x0, s21;
	[sflag:s23] =	ssyncset.done $0x0  }
0x18: {  	[sflag:s23] =	ssyncadd.s32 s4;
	_ =	sdelay $0x1  }
0x19: {  	s24 =	simm.s32 $0x1B8B  }
0x1a: {  	_ =	swait.ge [sflag:s24], $0x1  }
0x1b: {  	[sflag:s24] =	ssyncset.done $0x0  }
0x1c: {  	s26 =	simm.s32 $0x1B8E;
	s25 =	sld [smem:$0x3FFE];
	[sflag:s24] =	ssyncadd.s32 $0xFFFFFFFF  }
0x1d: {  	s27 =	simm.s32 $execute0_lowered;
	[smem:$0x3FD2] =	sst s26  }
0x1e: {  	s5 =	sshll.u32 s27, $0x1;
	_ =	strace $0x80000046;
	[dreg:$0x1] =	wrdreg $0xFFFFFFFF  }
0x1f: {  	s28 =	simm.s32 $_size_execute0_lowered;
	s3 =	sadd.s32 s3, s5;
	[dreg:$0x0] =	wrdreg $0x0  }
0x20: {  	s5 =	sshll.u32 s28, $0x1;
	[dreg:$0x2] =	wrdreg s3  }
0x21: {  	[dreg:$0x3] =	wrdreg s5  }
0x22: {  	[dreg:$0x4] =	wrdreg $0xC0  }
0x23: {  	_ =	task [dreg:s7], $0x5FFFF  }
0x24: {  	[dreg:$0x1] =	wrdreg $0xFFFFFFFF  }
0x25: {  	[dreg:$0x0] =	wrdreg $0x60  }
0x26: {  	[dreg:$0x2] =	wrdreg s2  }
0x27: {  	[dreg:$0x3] =	wrdreg s25  }
0x28: {  	[dreg:$0x4] =	wrdreg $0x9  }
0x29: {  	_ =	task.clear_ibuf [dreg:s7], $0x5FFFF;
	_ =	strace $0x90000046  }
0x2a: {  	s29 =	simm.s32 $0x9;
	_ =	strace $0x80000048  }
0x2b: {  	_ =	swait.ge [sflag:s29], $0x1  }
0x2c: {  	[sflag:s29] =	ssyncadd.s32 $0xFFFFFFFF  }
0x2d: {  	_ =	strace $0x90000048  }
0x2e: {  	_ =	sfence  }
0x2f: {  	s30 =	sld [smem:$0x0];
	_ =	sdelay $0x2  }
0x30: {  	s31 =	sshll.u32 s1, $0xD;
	s1 =	sshrl.u32 s1, $0x2  }
0x31: {  	s3 =	sand.u32 $0x4000, s31;
	s1 =	sadd.s32 s1, s30  }
0x32: {  	s0 =	sor.u32 s3, s0;
	s1 =	sshll.u32 s1, $0x11  }
0x33: {  	s0 =	sor.u32 s1, s0  }
0x34: {  	s0 =	sadd.s32 $0x8F2B, s0  }
0x35: {  	[sflag:s0] =	ssyncadd.remote.s32 $0x1  }
0x36: {  	_ =	sfence.sel $0xFFFF  }
0x37: {  	[dreg:$0x0] =	wrdreg $0xFFFFFFFF;
	(pc) =	sbr.abs _section_cstart, $3  }
0x38: {  	[dreg:$0x1] =	wrdreg $0xFFFFFFFF  }
0x39: {  	_ =	task.clear_ibuf [dreg:s7], $0x2FFFF;
	_ =	strace $0x9FFFFFFF  }
0x3a: {  	(tm) =	ssettm $0x7FFFFFFF  }
0x3b: {  	_ =	shalt  }
tec
execute0_lowered:
.L_overlay_start_1:
0x0: {  	(tag) =	ssettag $0x1  }
0x1: {  	s2 =	rddreg [dreg:$0x0]  }
0x2: {  	s1 =	rddreg [dreg:$0x1]  }
0x3: {  	s0 =	rddreg [dreg:$0x2];
	_ =	strace $0x80000047;
	s4 =	srdreg.scid  }
0x4: {  	s6 =	simm.s32 $0x2;
	s11 =	simm.s32 $0x0;
	p0 =	por $0x0, $0x0  }
.Ltmp0:
0x5: {  	s7 =	simm.s32 $0x1000;
	s12 =	simm.s32 $0x0;
	(pc) =	sbr.rel .LBB1_1-.Ltmp0, $4  }
0x6: {  	s9 =	simm.s32 $0x0;
	s3 =	sadd.s32 $0x800, s1;
	s5 =	sshll.u32 s4, $0x4  }
0x7: {  	s1 =	stileid.u32;
	s4 =	simm.s32 $0x1;
	s5 =	sand.u32 $0x10, s5  }
0x8: {  	s8 =	simm.s32 $0x0;
	[sflag:s4] =	ssyncpa.u1 $0x0;
	s5 =	sor.u32 s1, s5  }
0x9: {  	[sflag:s6] =	ssyncpa.u1 $0x0;
	s6 =	simm.s32 $0x800;
	s10 =	smov.u32 s5  }
.LBB1_7:
0xa: {  	s13 =	sadd.s32 $0x10, s9  }
0xb: {  	s11 =	sadd.s32 $0x20, s10;
	s15 =	smov.u32 s10;
	p2 =	sgt.s32 s13, $0x1F  }
0xc: {  	p1 =	slt.u32 s8, $0x2;
	s15 =	smov.u32 @p2 s11  }
0xd: {  	s8 =	sadd.s32 $0x1, s8;
	s13 =	simm.s32 @p2 $0x0;
	p2 =	sgt.s32 s15, $0x3FF  }
0xe: {  	s15 =	smov.u32 @p2 s5;
	p2 =	sne.s32 s8, $0x42  }
.Ltmp1:
0xf: {  	_ = 	snop;
	(pc) =	sbr.rel @!p2 .LBB1_8-.Ltmp1, $4  }
0x10: {  	s14 =	simm.s32 @!p1 $0x2  }
0x11: {  	s12 =	smov.u32 s10;
	_ =	swait.ge @!p1 [sflag:s14], $0x4000  }
0x12: {  	p0 =	por !p0, !p0;
	s11 =	smov.u32 s9;
	[sflag:s14] =	ssyncset.done @!p1 $0x0  }
0x13: {  	s9 =	smov.u32 s13;
	[sflag:s14] =	ssyncadd.s32 @!p1 $0xFFFFC000;
	s10 =	smov.u32 s15  }
.LBB1_1:
0x14: {  	p1 =	sgt.u32 s8, $0x3F  }
0x15: {  	s13 =	sxor.u32 @!p1 $0xFFFFFFFF, s8;
	s14 =	sshll.u32 @!p1 s10, $0xC  }
0x16: {  	s15 =	sshll.u32 @!p1 s9, $0x7;
	s13 =	sshll.u32 @!p1 s13, $0xE;
	s14 =	sadd.s32 @!p1 s2, s14  }
0x17: {  	s13 =	sand.u32 @!p1 $0x4000, s13;
	s14 =	sadd.s32 @!p1 s15, s14;
	s15 =	simm.s32 @!p1 $0x0  }
0x18: {  	[tilespmem:s13], [sflag:$0x1] =	stream.linear.gather @!p1 [hbm4b:s14+s15], $0x4000, $0x38;
	[tilespmem:$0x10000] =	vst v63  }
0x19: {  	p1 =	seq.s32 s8, $0x0  }
0x1a: {  	p2 =	seq.s32 @!p1 s8, $0x41  }
0x1b: {  	p1 =	por p1, p2  }
.Ltmp2:
0x1c: {  	_ = 	snop;
	(pc) =	sbr.rel @p1 .LBB1_7-.Ltmp2, $1  }
0x1d: {  	_ =	sdelay $0x3  }
0x1e: {  	s13 =	simm.s32 $0x1;
	_ =	swait.ge [sflag:s4], $0x4000;
	s16 =	sshll.u32 s8, $0xE  }
0x1f: {  	s13 =	simm.s32 @!p0 $0x0;
	[sflag:s4] =	ssyncset.done $0x0;
	s31 =	sand.u32 $0x4000, s16  }
0x20: {  	s16 =	simm.s32 $0x0;
	s14 =	sshll.u32 s13, $0xE;
	[sflag:s4] =	ssyncadd.s32 $0xFFFFC000  }
0x21: {  	s13 =	sor.u32 $0x8040, s14;
	s15 =	sor.u32 $0x40, s14;
	s14 =	sor.u32 $0x8000, s31  }
.LBB1_3:
0x22: {  	v0 =	vmov s15;
	_ =	sdelay $0x3  }
0x23: {  	s18 =	simm.s32 $0x0  }
0x24: {  	v6 =	vld.idx.msk [tilespmem:v0+s18+$0x30 ss:$0x1], $0xffff  }
0x25: {  	v7 =	vld.idx.msk [tilespmem:v0+s18+$0xFFFFFFC0 ss:$0x1], $0xffff  }
0x26: {  	v5 =	vld.idx.msk [tilespmem:v0+s18+$0xFFFFFFD0 ss:$0x1], $0xffff  }
0x27: {  	v4 =	vld.idx.msk [tilespmem:v0+s18+$0xFFFFFFE0 ss:$0x1], $0xffff  }
0x28: {  	v3 =	vld.idx.msk [tilespmem:v0+s18+$0xFFFFFFF0 ss:$0x1], $0xffff  }
0x29: {  	v1 =	vld.idx.msk [tilespmem:v0+s18+$0x0 ss:$0x1], $0xffff  }
0x2a: {  	v2 =	vld.idx.msk [tilespmem:v0+s18+$0x10 ss:$0x1], $0xffff;
	[tilespmem:s13+$0x30] =	vst v6  }
0x2b: {  	s17 =	simm.s32 $0x80;
	s19 =	simm.s32 $0x400;
	[tilespmem:s13+$0xFFFFFFC0] =	vst v7;
	v6 =	vld.idx.msk [tilespmem:v0+s18+$0x20 ss:$0x1], $0xffff;
	s18 =	smov.u32 s13  }
.LBB1_4:
0x2c: {  	p1 =	sne.s32 s19, $0xE00;
	v7 =	vld.idx.msk [tilespmem:v0+s17+$0x30 ss:$0x1], $0xffff;
	[tilespmem:s18+$0xFFFFFFD0] =	vst v5  }
0x2d: {  	v8 =	vld.idx.msk [tilespmem:v0+s17+$0xFFFFFFC0 ss:$0x1], $0xffff;
	[tilespmem:s18+$0xFFFFFFE0] =	vst v4  }
0x2e: {  	v5 =	vld.idx.msk [tilespmem:v0+s17+$0xFFFFFFD0 ss:$0x1], $0xffff;
	[tilespmem:s18+$0xFFFFFFF0] =	vst v3  }
.Ltmp3:
0x2f: {  	v4 =	vld.idx.msk [tilespmem:v0+s17+$0xFFFFFFE0 ss:$0x1], $0xffff;
	[tilespmem:s18+$0x0] =	vst v1;
	(pc) =	sbr.rel @p1 .LBB1_4-.Ltmp3, $4  }
0x30: {  	v3 =	vld.idx.msk [tilespmem:v0+s17+$0xFFFFFFF0 ss:$0x1], $0xffff;
	[tilespmem:s18+$0x10] =	vst v2  }
0x31: {  	v1 =	vld.idx.msk [tilespmem:v0+s17+$0x0 ss:$0x1], $0xffff;
	[tilespmem:s18+$0x20] =	vst v6;
	s18 =	sadd.s32 $0x800, s18  }
0x32: {  	v2 =	vld.idx.msk [tilespmem:v0+s17+$0x10 ss:$0x1], $0xffff;
	[tilespmem:s18+$0x30] =	vst v7  }
0x33: {  	[tilespmem:s18+$0xFFFFFFC0] =	vst v8;
	v6 =	vld.idx.msk [tilespmem:v0+s17+$0x20 ss:$0x1], $0xffff;
	s17 =	sshra.s32 s19, $0x2;
	s19 =	sadd.s32 $0x200, s19  }
0x34: {  	_ =	sdelay $0x2  }
0x35: {  	[tilespmem:s18+$0xFFFFFFD0] =	vst v5  }
0x36: {  	v56 =	vld.idx.msk [tilespmem:v0+s17+$0x30 ss:$0x1], $0xffff;
	[tilespmem:s18+$0xFFFFFFE0] =	vst v4  }
0x37: {  	v57 =	vld.idx.msk [tilespmem:v0+s17+$0xFFFFFFC0 ss:$0x1], $0xffff;
	[tilespmem:s18+$0xFFFFFFF0] =	vst v3  }
0x38: {  	v58 =	vld.idx.msk [tilespmem:v0+s17+$0xFFFFFFD0 ss:$0x1], $0xffff;
	[tilespmem:s18+$0x0] =	vst v1  }
0x39: {  	v59 =	vld.idx.msk [tilespmem:v0+s17+$0xFFFFFFE0 ss:$0x1], $0xffff;
	[tilespmem:s18+$0x10] =	vst v2  }
0x3a: {  	v60 =	vld.idx.msk [tilespmem:v0+s17+$0xFFFFFFF0 ss:$0x1], $0xffff;
	s31 =	sadd.s32 $0x800, s18;
	[tilespmem:s18+$0x20] =	vst v6  }
0x3b: {  	v61 =	vld.idx.msk [tilespmem:v0+s17+$0x0 ss:$0x1], $0xffff;
	[tilespmem:s31+$0x30] =	vst v56  }
0x3c: {  	v62 =	vld.idx.msk [tilespmem:v0+s17+$0x10 ss:$0x1], $0xffff;
	s16 =	sadd.s32 $0x1, s16;
	[tilespmem:s31+$0xFFFFFFC0] =	vst v57  }
0x3d: {  	v63 =	vld.idx.msk [tilespmem:v0+s17+$0x20 ss:$0x1], $0xffff;
	p1 =	sne.s32 s16, $0x10;
	[tilespmem:s31+$0xFFFFFFD0] =	vst v58  }
.Ltmp4:
0x3e: {  	[tilespmem:s31+$0xFFFFFFE0] =	vst v59;
	(pc) =	sbr.rel @p1 .LBB1_3-.Ltmp4, $4  }
0x3f: {  	[tilespmem:s31+$0xFFFFFFF0] =	vst v60  }
0x40: {  	[tilespmem:s31+$0x0] =	vst v61  }
0x41: {  	[tilespmem:s31+$0x10] =	vst v62  }
0x42: {  	s13 =	sadd.s32 $0x80, s13;
	s15 =	sadd.s32 $0x400, s15;
	[tilespmem:s31+$0x20] =	vst v63  }
.Ltmp5:
0x43: {  	(pc) =	sbr.rel .LBB1_7-.Ltmp5, $4  }
0x44: {  	s12 =	sshll.u32 s12, $0xC;
	s11 =	sshll.u32 s11, $0x4  }
0x45: {  	s11 =	sand.u32 $0x1F0, s11;
	s12 =	sadd.s32 s3, s12  }
0x46: {  	s11 =	sadd.s32 s11, s12  }
0x47: {  	[hbm4b:s11+s6] =	stream.strided.scatter [tilespmem:s14], [sflag:$0x2], $0x4000, s7, s6, $0x38;
	[tilespmem:$0x10000] =	vst v63  }
.LBB1_8:
0x48: {  	_ =	sfence.sel $0x180000  }
0x49: {  	s2 =	simm.s32 $0x1;
	[bflag:$0x0] =	sbarrier.arrive $0xFFFF  }
0x4a: {  	s31 =	simm.s32 $0x2;
	[sflag:s2] =	ssyncpa.u1 $0x1  }
0x4b: {  	[sflag:s31] =	ssyncpa.u1 $0x1  }
0x4c: {  	p0 =	sne.s32 s1, $0x0;
	_ =	strace $0x90000047  }
0x4d: {  	s0 =	sadd.s32 @!p0 $0x100000, s0;
	[bflag:$0x2] =	sbarrier.arrive $0xFFFF  }
0x4e: {  	[sflag:s0] =	ssyncadd.tile.s32 @!p0 $0x1;
	_ =	shalt  }
.Lfunc_end1:
_tile_overlayer_lowered:
.L_overlay_start_2:
0x4f: {  	(tag) =	ssettag $0x2  }
0x50: {  	s0 =	rddreg [dreg:$0x0];
	s2 =	stileid.u32  }
0x51: {  	s1 =	rddreg [dreg:$0x1];
	p0 =	sne.s32 s2, $0x0  }
0x52: {  	s3 =	rddreg [dreg:$0x2];
	[bflag:$0x3] =	sbarrier.arrive $0xFFFF;
	s2 =	simm.s32 @!p0 $0x1C01  }
0x53: {  	[timem:s3], [sflag:s2] =	dma.local @!p0 [hbm:s0], s1  }
0x54: {  	s0 =	simm.s32 @!p0 $0x1  }
0x55: {  	_ =	swait.ge @!p0 [sflag:s0], s1  }
0x56: {  	s1 =	ssub.s32 @!p0 $0x0, s1;
	[sflag:s0] =	ssyncset.done @!p0 $0x0  }
0x57: {  	[sflag:s0] =	ssyncadd.s32 @!p0 s1  }
0x58: {  	[bflag:$0x3] =	sbarrier.arrive $0xFFFF  }
0x59: {  	_ =	shalt  }

</sc_bundles>
